<compile_context>
chip_gen: v7x
topology: tpu7x:2x2x1
jax: 0.10.2.dev20260603
libtpu: 0.0.44.dev20260713+nightly
codegen_flags: <defaults>
</compile_context>

<pallas_src>
import functools

import jax
import jax.numpy as jnp
from jax import lax
from jax.experimental import pallas as pl
from jax.experimental.pallas import tpu as pltpu
from jax.experimental.pallas import tpu_sc as plsc

B, V = 4096, 100
NUM_NAMES, NUM_ROLES, NUM_GROUPS = 100, 8, 8
NAME_D, ROLE_D, GROUP_D = 32, 16, 16
HID, TOK = 128, 64
ROWS = B * V
BLOCK_B = 64
BLOCK_ROWS = BLOCK_B * V
EPS = 1e-5
VPAD = 128
RPW = 8


def _sc_gather(nidx_p, ridx_p, gidx_p, ntab, rtab, gtab):
    mesh = plsc.VectorSubcoreMesh(core_axis_name="c", subcore_axis_name="s")

    @functools.partial(
        pl.kernel, mesh=mesh,
        out_type=[
            jax.ShapeDtypeStruct((VPAD, 128), jnp.float32),
            jax.ShapeDtypeStruct((VPAD, 128), jnp.float32),
            jax.ShapeDtypeStruct((VPAD, 128), jnp.float32),
        ],
        scratch_types=[
            pltpu.VMEM((RPW,), jnp.int32),
            pltpu.VMEM((RPW,), jnp.int32),
            pltpu.VMEM((RPW,), jnp.int32),
            pltpu.VMEM((RPW, 128), jnp.float32),
            pltpu.VMEM((RPW, 128), jnp.float32),
            pltpu.VMEM((RPW, 128), jnp.float32),
            pltpu.SemaphoreType.DMA,
        ],
    )
    def gather_kernel(nidx_hbm, ridx_hbm, gidx_hbm, ntab_hbm, rtab_hbm,
                      gtab_hbm, nout, rout, gout,
                      idxn_v, idxr_v, idxg_v, nrows_v, rrows_v, grows_v, sem):
        wid = lax.axis_index("s") * 2 + lax.axis_index("c")

        @pl.when(wid < VPAD // RPW)
        def _():
            base = wid * RPW
            pltpu.sync_copy(nidx_hbm.at[pl.ds(base, RPW)], idxn_v)
            pltpu.sync_copy(ridx_hbm.at[pl.ds(base, RPW)], idxr_v)
            pltpu.sync_copy(gidx_hbm.at[pl.ds(base, RPW)], idxg_v)
            cn = pltpu.async_copy(ntab_hbm.at[idxn_v], nrows_v, sem)
            cr = pltpu.async_copy(rtab_hbm.at[idxr_v], rrows_v, sem)
            cg = pltpu.async_copy(gtab_hbm.at[idxg_v], grows_v, sem)
            cn.wait()
            cr.wait()
            cg.wait()
            pltpu.sync_copy(nrows_v, nout.at[pl.ds(base, RPW)])
            pltpu.sync_copy(rrows_v, rout.at[pl.ds(base, RPW)])
            pltpu.sync_copy(grows_v, gout.at[pl.ds(base, RPW)])

    return gather_kernel(nidx_p, ridx_p, gidx_p, ntab, rtab, gtab)


def _encoder_kernel(vals_ref, nrows_ref, rrows_ref, grows_ref,
                    w1row_ref, w1col_ref, w1nT_ref, w1rT_ref, w1gT_ref,
                    b1c_ref, g1c_ref, be1c_ref,
                    w2T_ref, b2c_ref, g2c_ref, be2c_ref,
                    w3_ref, b3r_ref,
                    out_ref, baseT_s, mb_s, cv2_s, vbe_s):
    dot = functools.partial(jax.lax.dot, preferred_element_type=jnp.float32)
    ones_row = jnp.full((1, HID), 1.0 / HID, dtype=jnp.float32)

    @pl.when(pl.program_id(0) == 0)
    def _prologue():
        def dg(a, b):
            return jax.lax.dot_general(a, b, (((1,), (1,)), ((), ())),
                                       preferred_element_type=jnp.float32)

        baseT = (dg(w1nT_ref[...], nrows_ref[:, :NAME_D])[:, :V]
                 + dg(w1rT_ref[...], rrows_ref[:, :ROLE_D])[:, :V]
                 + dg(w1gT_ref[...], grows_ref[:, :GROUP_D])[:, :V]
                 + b1c_ref[...])
        w1r = w1row_ref[...]
        mw = jnp.mean(w1r, axis=1, keepdims=True)
        mbv = dot(ones_row, baseT)
        cvv = dot(ones_row * w1r, baseT) - mw * mbv
        vbv = dot(ones_row, baseT * baseT) - mbv * mbv + EPS
        ior2 = jax.lax.broadcasted_iota(jnp.int32, (V, BLOCK_ROWS), 0)
        ioc2 = jax.lax.broadcasted_iota(jnp.int32, (V, BLOCK_ROWS), 1)
        selT = (jax.lax.rem(ioc2, V) == ior2).astype(jnp.float32)
        baseT_s[...] = dot(baseT, selT)
        mb_s[...] = dot(mbv, selT)
        cv2_s[...] = dot(2.0 * cvv, selT)
        vbe_s[...] = dot(vbv, selT)

    w1r = w1row_ref[...]
    mw = jnp.mean(w1r, axis=1, keepdims=True)
    vw = jnp.mean(w1r * w1r, axis=1, keepdims=True) - mw * mw

    vrow = vals_ref[...]
    m1 = vrow * mw + mb_s[...]
    var1 = (vrow * vw + cv2_s[...]) * vrow + vbe_s[...]
    inv1 = jax.lax.rsqrt(var1)
    mm = m1 * inv1

    h = dot(w1col_ref[...], vrow) + baseT_s[...]
    h = jnp.maximum((h * inv1 - mm) * g1c_ref[...] + be1c_ref[...], 0.0)
    h = dot(w2T_ref[...], h.astype(jnp.bfloat16)) + b2c_ref[...]

    m2 = dot(ones_row, h)
    q2 = dot(ones_row, h * h)
    inv2 = jax.lax.rsqrt(q2 - m2 * m2 + EPS)
    mm2 = m2 * inv2
    h = jnp.maximum((h * inv2 - mm2) * g2c_ref[...] + be2c_ref[...], 0.0)
    o = jax.lax.dot_general(h.astype(jnp.bfloat16), w3_ref[...],
                            (((0,), (0,)), ((), ())),
                            preferred_element_type=jnp.float32)
    out_ref[...] = (o + b3r_ref[...]).reshape(BLOCK_B, V, TOK)


def kernel(values, name_idx, role_idx, group_idx, name_table, role_table,
           group_table, W1, b1, g1, be1, W2, b2, g2, be2, W3, b3):
    vals = values.reshape(1, ROWS)
    grid = B // BLOCK_B

    def pad_idx(i):
        return jnp.concatenate([i, jnp.zeros(VPAD - V, jnp.int32)])

    def pad_tab(t):
        return jnp.pad(t, ((0, 0), (0, 128 - t.shape[1])))

    nrows, rrows, grows = _sc_gather(pad_idx(name_idx), pad_idx(role_idx),
                                     pad_idx(group_idx), pad_tab(name_table),
                                     pad_tab(role_table), pad_tab(group_table))

    row_spec = pl.BlockSpec((1, BLOCK_ROWS), lambda i: (0, i))
    out_spec = pl.BlockSpec((BLOCK_B, V, TOK), lambda i: (i, 0, 0))

    def full(shape):
        return pl.BlockSpec(shape, lambda i: (0,) * len(shape))

    out = pl.pallas_call(
        _encoder_kernel,
        grid=(grid,),
        in_specs=[
            row_spec,
            full((VPAD, 128)), full((VPAD, 128)), full((VPAD, 128)),
            full((1, HID)), full((HID, 1)), full((HID, NAME_D)),
            full((HID, ROLE_D)), full((HID, GROUP_D)),
            full((HID, 1)), full((HID, 1)), full((HID, 1)),
            full((HID, HID)), full((HID, 1)), full((HID, 1)), full((HID, 1)),
            full((HID, TOK)), full((1, TOK)),
        ],
        out_specs=out_spec,
        out_shape=jax.ShapeDtypeStruct((B, V, TOK), jnp.float32),
        scratch_shapes=[
            pltpu.VMEM((HID, BLOCK_ROWS), jnp.float32),
            pltpu.VMEM((1, BLOCK_ROWS), jnp.float32),
            pltpu.VMEM((1, BLOCK_ROWS), jnp.float32),
            pltpu.VMEM((1, BLOCK_ROWS), jnp.float32),
        ],
        compiler_params=pltpu.CompilerParams(
            dimension_semantics=("arbitrary",),
        ),
    )(
        vals,
        nrows, rrows, grows,
        W1[0:1, :], W1[0:1, :].T, W1[1:1 + NAME_D, :].T,
        W1[1 + NAME_D:1 + NAME_D + ROLE_D, :].T,
        W1[1 + NAME_D + ROLE_D:, :].T,
        b1.reshape(HID, 1), g1.reshape(HID, 1), be1.reshape(HID, 1),
        W2.T.astype(jnp.bfloat16), b2.reshape(HID, 1), g2.reshape(HID, 1),
        be2.reshape(HID, 1),
        W3.astype(jnp.bfloat16), b3.reshape(1, TOK),
    )
    return out

# --- scband reference (transcript-rebuilt; emitter-appended) ---
"""Pipeline reference for scband-variable-token-encoder-32942399160859 (READ-ONLY COPY).

The authoritative reference and input builder live on the scoring server;
editing this copy changes nothing except your own understanding.
"""

import jax, jax.numpy as jnp
import numpy as np

B, V = 4096, 100
NUM_NAMES, NUM_ROLES, NUM_GROUPS = 100, 8, 8
NAME_D, ROLE_D, GROUP_D = 32, 16, 16
HID, TOK = 128, 64
IN_D = 1 + NAME_D + ROLE_D + GROUP_D


def setup_inputs(seed: int = 0) -> dict:
    key = jax.random.key(seed)
    ks = jax.random.split(key, 16)
    values = jax.random.normal(ks[0], (B, V), dtype=jnp.float32)
    name_idx = jnp.arange(V, dtype=jnp.int32) % NUM_NAMES
    role_idx = jax.random.randint(ks[1], (V,), 0, NUM_ROLES, dtype=jnp.int32)
    group_idx = jax.random.randint(ks[2], (V,), 0, NUM_GROUPS, dtype=jnp.int32)
    name_table = 0.1 * jax.random.normal(ks[3], (NUM_NAMES, NAME_D), dtype=jnp.float32)
    role_table = 0.1 * jax.random.normal(ks[4], (NUM_ROLES, ROLE_D), dtype=jnp.float32)
    group_table = 0.1 * jax.random.normal(ks[5], (NUM_GROUPS, GROUP_D), dtype=jnp.float32)
    W1 = jax.random.normal(ks[6], (IN_D, HID), dtype=jnp.float32) / np.sqrt(IN_D)
    b1 = jnp.zeros((HID,), dtype=jnp.float32)
    g1 = jnp.ones((HID,), dtype=jnp.float32)
    be1 = jnp.zeros((HID,), dtype=jnp.float32)
    W2 = jax.random.normal(ks[7], (HID, HID), dtype=jnp.float32) / np.sqrt(HID)
    b2 = jnp.zeros((HID,), dtype=jnp.float32)
    g2 = jnp.ones((HID,), dtype=jnp.float32)
    be2 = jnp.zeros((HID,), dtype=jnp.float32)
    W3 = jax.random.normal(ks[8], (HID, TOK), dtype=jnp.float32) / np.sqrt(HID)
    b3 = jnp.zeros((TOK,), dtype=jnp.float32)
    return {"values": values, "name_idx": name_idx, "role_idx": role_idx, "group_idx": group_idx,
            "name_table": name_table, "role_table": role_table, "group_table": group_table,
            "W1": W1, "b1": b1, "g1": g1, "be1": be1,
            "W2": W2, "b2": b2, "g2": g2, "be2": be2,
            "W3": W3, "b3": b3}


def _layernorm(x, g, b, eps=1e-5):
    m = jnp.mean(x, axis=-1, keepdims=True)
    v = jnp.var(x, axis=-1, keepdims=True)
    return (x - m) / jnp.sqrt(v + eps) * g + b


def reference(values, name_idx, role_idx, group_idx, name_table, role_table, group_table,
              W1, b1, g1, be1, W2, b2, g2, be2, W3, b3):
    # linear scale => identity scaling of values
    scaled = values[..., None]                      # [B, V, 1]
    name_e = jnp.take(name_table, name_idx, axis=0)   # [V, NAME_D] (SparseCore gather)
    role_e = jnp.take(role_table, role_idx, axis=0)   # [V, ROLE_D]
    group_e = jnp.take(group_table, group_idx, axis=0)  # [V, GROUP_D]
    Bsz = values.shape[0]
    name_e = jnp.broadcast_to(name_e[None, :, :], (Bsz, name_e.shape[0], name_e.shape[1]))
    role_e = jnp.broadcast_to(role_e[None, :, :], (Bsz, role_e.shape[0], role_e.shape[1]))
    group_e = jnp.broadcast_to(group_e[None, :, :], (Bsz, group_e.shape[0], group_e.shape[1]))
    token_input = jnp.concatenate([scaled, name_e, role_e, group_e], axis=-1)  # [B, V, IN_D]
    h = token_input @ W1 + b1
    h = jax.nn.relu(_layernorm(h, g1, be1))
    h = h @ W2 + b2
    h = jax.nn.relu(_layernorm(h, g2, be2))
    tokens = h @ W3 + b3                            # [B, V, TOK]
    return tokens

if __name__ == "__main__":
    import jax
    _d = setup_inputs()
    print(jax.jit(kernel)(*tuple(_d.values())))

</pallas_src>

<mosaic_0001>
#map = affine_map<(d0, d1) -> (0)>
#map1 = affine_map<(d0, d1) -> (0, 0)>
module attributes {stable_mosaic.version = 14 : i64} {
  func.func @gather_kernel(%arg0: i32, %arg1: i32, %arg2: memref<128xi32, #tpu.memory_space<hbm>>, %arg3: memref<128xi32, #tpu.memory_space<hbm>>, %arg4: memref<128xi32, #tpu.memory_space<hbm>>, %arg5: memref<100x128xf32, #tpu.memory_space<hbm>>, %arg6: memref<8x128xf32, #tpu.memory_space<hbm>>, %arg7: memref<8x128xf32, #tpu.memory_space<hbm>>, %arg8: memref<128x128xf32, #tpu.memory_space<hbm>>, %arg9: memref<128x128xf32, #tpu.memory_space<hbm>>, %arg10: memref<128x128xf32, #tpu.memory_space<hbm>>, %arg11: memref<8xi32, #tpu.memory_space<vmem>>, %arg12: memref<8xi32, #tpu.memory_space<vmem>>, %arg13: memref<8xi32, #tpu.memory_space<vmem>>, %arg14: memref<8x128xf32, #tpu.memory_space<vmem>>, %arg15: memref<8x128xf32, #tpu.memory_space<vmem>>, %arg16: memref<8x128xf32, #tpu.memory_space<vmem>>, %arg17: memref<!tpu.dma_semaphore, #tpu.memory_space<semaphore_mem>>) attributes {dimension_semantics = [#tpu.dimension_semantics<core_parallel>, #tpu.dimension_semantics<subcore_parallel>], iteration_bounds = array<i64: 2, 16>, scalar_prefetch = 0 : i64, scratch_operands = 7 : i64, tpu.core_type = #tpu.core_type<sc_vector_subcore>, window_params = [{transform_indices = #map}, {transform_indices = #map}, {transform_indices = #map}, {transform_indices = #map1}, {transform_indices = #map1}, {transform_indices = #map1}, {transform_indices = #map1}, {transform_indices = #map1}, {transform_indices = #map1}]} {
    %mul3A = arith.constant 2 : i32
    %mul3A_0 = arith.muli %arg1, %mul3A : i32
    %add3A = arith.addi %mul3A_0, %arg0 : i32
    %lt3A = arith.constant 16 : i32
    %lt3A_1 = arith.cmpi slt, %add3A, %lt3A : i32
    %convert_element_type3A = arith.extui %lt3A_1 : i1 to i32
    %cond3A = arith.constant 0 : i32
    %cond3A_2 = arith.cmpi ne, %convert_element_type3A, %cond3A : i32
    scf.if %cond3A_2 {
      %mul3A_3 = arith.constant 8 : i32
      %mul3A_4 = arith.muli %add3A, %mul3A_3 : i32
      "tpu.region"() ({
        %run_scoped3A = tpu.sem_alloc : memref<!tpu.dma_semaphore, #tpu.memory_space<semaphore_mem>>
        %dma_start3A_21 = tpu.memref_slice %arg2[%mul3A_4] : memref<128xi32, #tpu.memory_space<hbm>> -> memref<8xi32, #tpu.memory_space<hbm>>
        %dma_start3A_22 = tpu.memref_slice %arg2[%mul3A_4] : memref<128xi32, #tpu.memory_space<hbm>> -> memref<8xi32, #tpu.memory_space<hbm>>
        tpu.enqueue_dma source(%dma_start3A_22 : memref<8xi32, #tpu.memory_space<hbm>>) target(%arg11 : memref<8xi32, #tpu.memory_space<vmem>>) target_semaphore(%run_scoped3A : memref<!tpu.dma_semaphore, #tpu.memory_space<semaphore_mem>>)
        %dma_wait3A_23 = tpu.memref_slice %arg2[%mul3A_4] : memref<128xi32, #tpu.memory_space<hbm>> -> memref<8xi32, #tpu.memory_space<hbm>>
        %dma_wait3A_24 = tpu.memref_slice %arg2[%mul3A_4] : memref<128xi32, #tpu.memory_space<hbm>> -> memref<8xi32, #tpu.memory_space<hbm>>
        tpu.wait_dma2 semaphore(%run_scoped3A : memref<!tpu.dma_semaphore, #tpu.memory_space<semaphore_mem>>) src(%dma_wait3A_24 : memref<8xi32, #tpu.memory_space<hbm>>) dst(%arg11 : memref<8xi32, #tpu.memory_space<vmem>>)
        tpu.yield
      }) : () -> ()
      "tpu.region"() ({
        %run_scoped3A = tpu.sem_alloc : memref<!tpu.dma_semaphore, #tpu.memory_space<semaphore_mem>>
        %dma_start3A_21 = tpu.memref_slice %arg3[%mul3A_4] : memref<128xi32, #tpu.memory_space<hbm>> -> memref<8xi32, #tpu.memory_space<hbm>>
        %dma_start3A_22 = tpu.memref_slice %arg3[%mul3A_4] : memref<128xi32, #tpu.memory_space<hbm>> -> memref<8xi32, #tpu.memory_space<hbm>>
        tpu.enqueue_dma source(%dma_start3A_22 : memref<8xi32, #tpu.memory_space<hbm>>) target(%arg12 : memref<8xi32, #tpu.memory_space<vmem>>) target_semaphore(%run_scoped3A : memref<!tpu.dma_semaphore, #tpu.memory_space<semaphore_mem>>)
        %dma_wait3A_23 = tpu.memref_slice %arg3[%mul3A_4] : memref<128xi32, #tpu.memory_space<hbm>> -> memref<8xi32, #tpu.memory_space<hbm>>
        %dma_wait3A_24 = tpu.memref_slice %arg3[%mul3A_4] : memref<128xi32, #tpu.memory_space<hbm>> -> memref<8xi32, #tpu.memory_space<hbm>>
        tpu.wait_dma2 semaphore(%run_scoped3A : memref<!tpu.dma_semaphore, #tpu.memory_space<semaphore_mem>>) src(%dma_wait3A_24 : memref<8xi32, #tpu.memory_space<hbm>>) dst(%arg12 : memref<8xi32, #tpu.memory_space<vmem>>)
        tpu.yield
      }) : () -> ()
      "tpu.region"() ({
        %run_scoped3A = tpu.sem_alloc : memref<!tpu.dma_semaphore, #tpu.memory_space<semaphore_mem>>
        %dma_start3A_21 = tpu.memref_slice %arg4[%mul3A_4] : memref<128xi32, #tpu.memory_space<hbm>> -> memref<8xi32, #tpu.memory_space<hbm>>
        %dma_start3A_22 = tpu.memref_slice %arg4[%mul3A_4] : memref<128xi32, #tpu.memory_space<hbm>> -> memref<8xi32, #tpu.memory_space<hbm>>
        tpu.enqueue_dma source(%dma_start3A_22 : memref<8xi32, #tpu.memory_space<hbm>>) target(%arg13 : memref<8xi32, #tpu.memory_space<vmem>>) target_semaphore(%run_scoped3A : memref<!tpu.dma_semaphore, #tpu.memory_space<semaphore_mem>>)
        %dma_wait3A_23 = tpu.memref_slice %arg4[%mul3A_4] : memref<128xi32, #tpu.memory_space<hbm>> -> memref<8xi32, #tpu.memory_space<hbm>>
        %dma_wait3A_24 = tpu.memref_slice %arg4[%mul3A_4] : memref<128xi32, #tpu.memory_space<hbm>> -> memref<8xi32, #tpu.memory_space<hbm>>
        tpu.wait_dma2 semaphore(%run_scoped3A : memref<!tpu.dma_semaphore, #tpu.memory_space<semaphore_mem>>) src(%dma_wait3A_24 : memref<8xi32, #tpu.memory_space<hbm>>) dst(%arg13 : memref<8xi32, #tpu.memory_space<vmem>>)
        tpu.yield
      }) : () -> ()
      %dma_start3A = arith.constant 0 : i32
      %dma_start3A_5 = arith.constant 0 : i32
      %dma_start3A_6 = tpu.memref_slice %arg5[%dma_start3A, %dma_start3A_5] : memref<100x128xf32, #tpu.memory_space<hbm>> -> memref<100x128xf32, #tpu.memory_space<hbm>>
      tpu.enqueue_indirect_dma source(%dma_start3A_6 : memref<100x128xf32, #tpu.memory_space<hbm>>) target(%arg14 : memref<8x128xf32, #tpu.memory_space<vmem>>) offsets(%arg11 : memref<8xi32, #tpu.memory_space<vmem>>) semaphore(%arg17 : memref<!tpu.dma_semaphore, #tpu.memory_space<semaphore_mem>>)
      %dma_start3A_7 = arith.constant 0 : i32
      %dma_start3A_8 = arith.constant 0 : i32
      %dma_start3A_9 = tpu.memref_slice %arg6[%dma_start3A_7, %dma_start3A_8] : memref<8x128xf32, #tpu.memory_space<hbm>> -> memref<8x128xf32, #tpu.memory_space<hbm>>
      tpu.enqueue_indirect_dma source(%dma_start3A_9 : memref<8x128xf32, #tpu.memory_space<hbm>>) target(%arg15 : memref<8x128xf32, #tpu.memory_space<vmem>>) offsets(%arg12 : memref<8xi32, #tpu.memory_space<vmem>>) semaphore(%arg17 : memref<!tpu.dma_semaphore, #tpu.memory_space<semaphore_mem>>)
      %dma_start3A_10 = arith.constant 0 : i32
      %dma_start3A_11 = arith.constant 0 : i32
      %dma_start3A_12 = tpu.memref_slice %arg7[%dma_start3A_10, %dma_start3A_11] : memref<8x128xf32, #tpu.memory_space<hbm>> -> memref<8x128xf32, #tpu.memory_space<hbm>>
      tpu.enqueue_indirect_dma source(%dma_start3A_12 : memref<8x128xf32, #tpu.memory_space<hbm>>) target(%arg16 : memref<8x128xf32, #tpu.memory_space<vmem>>) offsets(%arg13 : memref<8xi32, #tpu.memory_space<vmem>>) semaphore(%arg17 : memref<!tpu.dma_semaphore, #tpu.memory_space<semaphore_mem>>)
      %dma_wait3A = arith.constant 0 : i32
      %dma_wait3A_13 = arith.constant 0 : i32
      %dma_wait3A_14 = tpu.memref_slice %arg5[%dma_wait3A, %dma_wait3A_13] : memref<100x128xf32, #tpu.memory_space<hbm>> -> memref<100x128xf32, #tpu.memory_space<hbm>>
      tpu.wait_indirect_dma semaphore(%arg17 : memref<!tpu.dma_semaphore, #tpu.memory_space<semaphore_mem>>) src(%dma_wait3A_14 : memref<100x128xf32, #tpu.memory_space<hbm>>) dst(%arg14 : memref<8x128xf32, #tpu.memory_space<vmem>>)
      %dma_wait3A_15 = arith.constant 0 : i32
      %dma_wait3A_16 = arith.constant 0 : i32
      %dma_wait3A_17 = tpu.memref_slice %arg6[%dma_wait3A_15, %dma_wait3A_16] : memref<8x128xf32, #tpu.memory_space<hbm>> -> memref<8x128xf32, #tpu.memory_space<hbm>>
      tpu.wait_indirect_dma semaphore(%arg17 : memref<!tpu.dma_semaphore, #tpu.memory_space<semaphore_mem>>) src(%dma_wait3A_17 : memref<8x128xf32, #tpu.memory_space<hbm>>) dst(%arg15 : memref<8x128xf32, #tpu.memory_space<vmem>>)
      %dma_wait3A_18 = arith.constant 0 : i32
      %dma_wait3A_19 = arith.constant 0 : i32
      %dma_wait3A_20 = tpu.memref_slice %arg7[%dma_wait3A_18, %dma_wait3A_19] : memref<8x128xf32, #tpu.memory_space<hbm>> -> memref<8x128xf32, #tpu.memory_space<hbm>>
      tpu.wait_indirect_dma semaphore(%arg17 : memref<!tpu.dma_semaphore, #tpu.memory_space<semaphore_mem>>) src(%dma_wait3A_20 : memref<8x128xf32, #tpu.memory_space<hbm>>) dst(%arg16 : memref<8x128xf32, #tpu.memory_space<vmem>>)
      "tpu.region"() ({
        %run_scoped3A = tpu.sem_alloc : memref<!tpu.dma_semaphore, #tpu.memory_space<semaphore_mem>>
        %dma_start3A_21 = arith.constant 0 : i32
        %dma_start3A_22 = tpu.memref_slice %arg8[%mul3A_4, %dma_start3A_21] : memref<128x128xf32, #tpu.memory_space<hbm>> -> memref<8x128xf32, #tpu.memory_space<hbm>>
        %dma_start3A_23 = arith.constant 0 : i32
        %dma_start3A_24 = tpu.memref_slice %arg8[%mul3A_4, %dma_start3A_23] : memref<128x128xf32, #tpu.memory_space<hbm>> -> memref<8x128xf32, #tpu.memory_space<hbm>>
        tpu.enqueue_dma source(%arg14 : memref<8x128xf32, #tpu.memory_space<vmem>>) target(%dma_start3A_24 : memref<8x128xf32, #tpu.memory_space<hbm>>) target_semaphore(%run_scoped3A : memref<!tpu.dma_semaphore, #tpu.memory_space<semaphore_mem>>)
        %dma_wait3A_25 = arith.constant 0 : i32
        %dma_wait3A_26 = tpu.memref_slice %arg8[%mul3A_4, %dma_wait3A_25] : memref<128x128xf32, #tpu.memory_space<hbm>> -> memref<8x128xf32, #tpu.memory_space<hbm>>
        %dma_wait3A_27 = arith.constant 0 : i32
        %dma_wait3A_28 = tpu.memref_slice %arg8[%mul3A_4, %dma_wait3A_27] : memref<128x128xf32, #tpu.memory_space<hbm>> -> memref<8x128xf32, #tpu.memory_space<hbm>>
        tpu.wait_dma2 semaphore(%run_scoped3A : memref<!tpu.dma_semaphore, #tpu.memory_space<semaphore_mem>>) src(%arg14 : memref<8x128xf32, #tpu.memory_space<vmem>>) dst(%dma_wait3A_28 : memref<8x128xf32, #tpu.memory_space<hbm>>)
        tpu.yield
      }) : () -> ()
      "tpu.region"() ({
        %run_scoped3A = tpu.sem_alloc : memref<!tpu.dma_semaphore, #tpu.memory_space<semaphore_mem>>
        %dma_start3A_21 = arith.constant 0 : i32
        %dma_start3A_22 = tpu.memref_slice %arg9[%mul3A_4, %dma_start3A_21] : memref<128x128xf32, #tpu.memory_space<hbm>> -> memref<8x128xf32, #tpu.memory_space<hbm>>
        %dma_start3A_23 = arith.constant 0 : i32
        %dma_start3A_24 = tpu.memref_slice %arg9[%mul3A_4, %dma_start3A_23] : memref<128x128xf32, #tpu.memory_space<hbm>> -> memref<8x128xf32, #tpu.memory_space<hbm>>
        tpu.enqueue_dma source(%arg15 : memref<8x128xf32, #tpu.memory_space<vmem>>) target(%dma_start3A_24 : memref<8x128xf32, #tpu.memory_space<hbm>>) target_semaphore(%run_scoped3A : memref<!tpu.dma_semaphore, #tpu.memory_space<semaphore_mem>>)
        %dma_wait3A_25 = arith.constant 0 : i32
        %dma_wait3A_26 = tpu.memref_slice %arg9[%mul3A_4, %dma_wait3A_25] : memref<128x128xf32, #tpu.memory_space<hbm>> -> memref<8x128xf32, #tpu.memory_space<hbm>>
        %dma_wait3A_27 = arith.constant 0 : i32
        %dma_wait3A_28 = tpu.memref_slice %arg9[%mul3A_4, %dma_wait3A_27] : memref<128x128xf32, #tpu.memory_space<hbm>> -> memref<8x128xf32, #tpu.memory_space<hbm>>
        tpu.wait_dma2 semaphore(%run_scoped3A : memref<!tpu.dma_semaphore, #tpu.memory_space<semaphore_mem>>) src(%arg15 : memref<8x128xf32, #tpu.memory_space<vmem>>) dst(%dma_wait3A_28 : memref<8x128xf32, #tpu.memory_space<hbm>>)
        tpu.yield
      }) : () -> ()
      "tpu.region"() ({
        %run_scoped3A = tpu.sem_alloc : memref<!tpu.dma_semaphore, #tpu.memory_space<semaphore_mem>>
        %dma_start3A_21 = arith.constant 0 : i32
        %dma_start3A_22 = tpu.memref_slice %arg10[%mul3A_4, %dma_start3A_21] : memref<128x128xf32, #tpu.memory_space<hbm>> -> memref<8x128xf32, #tpu.memory_space<hbm>>
        %dma_start3A_23 = arith.constant 0 : i32
        %dma_start3A_24 = tpu.memref_slice %arg10[%mul3A_4, %dma_start3A_23] : memref<128x128xf32, #tpu.memory_space<hbm>> -> memref<8x128xf32, #tpu.memory_space<hbm>>
        tpu.enqueue_dma source(%arg16 : memref<8x128xf32, #tpu.memory_space<vmem>>) target(%dma_start3A_24 : memref<8x128xf32, #tpu.memory_space<hbm>>) target_semaphore(%run_scoped3A : memref<!tpu.dma_semaphore, #tpu.memory_space<semaphore_mem>>)
        %dma_wait3A_25 = arith.constant 0 : i32
        %dma_wait3A_26 = tpu.memref_slice %arg10[%mul3A_4, %dma_wait3A_25] : memref<128x128xf32, #tpu.memory_space<hbm>> -> memref<8x128xf32, #tpu.memory_space<hbm>>
        %dma_wait3A_27 = arith.constant 0 : i32
        %dma_wait3A_28 = tpu.memref_slice %arg10[%mul3A_4, %dma_wait3A_27] : memref<128x128xf32, #tpu.memory_space<hbm>> -> memref<8x128xf32, #tpu.memory_space<hbm>>
        tpu.wait_dma2 semaphore(%run_scoped3A : memref<!tpu.dma_semaphore, #tpu.memory_space<semaphore_mem>>) src(%arg16 : memref<8x128xf32, #tpu.memory_space<vmem>>) dst(%dma_wait3A_28 : memref<8x128xf32, #tpu.memory_space<hbm>>)
        tpu.yield
      }) : () -> ()
    } else {
    }
    return
  }
}

module attributes {stable_mosaic.version = 14 : i64} {
  func.func @_encoder_kernel(%arg0: i32, %arg1: memref<1x6400xf32, #tpu.memory_space<vmem>>, %arg2: memref<128x128xf32, #tpu.memory_space<vmem>>, %arg3: memref<128x128xf32, #tpu.memory_space<vmem>>, %arg4: memref<128x128xf32, #tpu.memory_space<vmem>>, %arg5: memref<1x128xf32, #tpu.memory_space<vmem>>, %arg6: memref<128x1xf32, #tpu.memory_space<vmem>>, %arg7: memref<128x32xf32, #tpu.memory_space<vmem>>, %arg8: memref<128x16xf32, #tpu.memory_space<vmem>>, %arg9: memref<128x16xf32, #tpu.memory_space<vmem>>, %arg10: memref<128x1xf32, #tpu.memory_space<vmem>>, %arg11: memref<128x1xf32, #tpu.memory_space<vmem>>, %arg12: memref<128x1xf32, #tpu.memory_space<vmem>>, %arg13: memref<128x128xbf16, #tpu.memory_space<vmem>>, %arg14: memref<128x1xf32, #tpu.memory_space<vmem>>, %arg15: memref<128x1xf32, #tpu.memory_space<vmem>>, %arg16: memref<128x1xf32, #tpu.memory_space<vmem>>, %arg17: memref<128x64xbf16, #tpu.memory_space<vmem>>, %arg18: memref<1x64xf32, #tpu.memory_space<vmem>>, %arg19: memref<64x100x64xf32, #tpu.memory_space<vmem>>, %arg20: memref<128x6400xf32, #tpu.memory_space<vmem>>, %arg21: memref<1x6400xf32, #tpu.memory_space<vmem>>, %arg22: memref<1x6400xf32, #tpu.memory_space<vmem>>, %arg23: memref<1x6400xf32, #tpu.memory_space<vmem>>) attributes {dimension_semantics = [#tpu.dimension_semantics<arbitrary>], iteration_bounds = array<i64: 64>, scalar_prefetch = 0 : i64, scratch_operands = 4 : i64, tpu.core_type = #tpu.core_type<tc>, window_params = [{transform_indices = @transform_0, window_bounds = array<i64: 1, 6400>}, {pipeline_mode = #tpu.pipeline_mode<synchronous>, transform_indices = @transform_1, window_bounds = array<i64: 128, 128>}, {pipeline_mode = #tpu.pipeline_mode<synchronous>, transform_indices = @transform_2, window_bounds = array<i64: 128, 128>}, {pipeline_mode = #tpu.pipeline_mode<synchronous>, transform_indices = @transform_3, window_bounds = array<i64: 128, 128>}, {pipeline_mode = #tpu.pipeline_mode<synchronous>, transform_indices = @transform_4, window_bounds = array<i64: 1, 128>}, {pipeline_mode = #tpu.pipeline_mode<synchronous>, transform_indices = @transform_5, window_bounds = array<i64: 128, 1>}, {pipeline_mode = #tpu.pipeline_mode<synchronous>, transform_indices = @transform_6, window_bounds = array<i64: 128, 32>}, {pipeline_mode = #tpu.pipeline_mode<synchronous>, transform_indices = @transform_7, window_bounds = array<i64: 128, 16>}, {pipeline_mode = #tpu.pipeline_mode<synchronous>, transform_indices = @transform_8, window_bounds = array<i64: 128, 16>}, {pipeline_mode = #tpu.pipeline_mode<synchronous>, transform_indices = @transform_9, window_bounds = array<i64: 128, 1>}, {pipeline_mode = #tpu.pipeline_mode<synchronous>, transform_indices = @transform_10, window_bounds = array<i64: 128, 1>}, {pipeline_mode = #tpu.pipeline_mode<synchronous>, transform_indices = @transform_11, window_bounds = array<i64: 128, 1>}, {pipeline_mode = #tpu.pipeline_mode<synchronous>, transform_indices = @transform_12, window_bounds = array<i64: 128, 128>}, {pipeline_mode = #tpu.pipeline_mode<synchronous>, transform_indices = @transform_13, window_bounds = array<i64: 128, 1>}, {pipeline_mode = #tpu.pipeline_mode<synchronous>, transform_indices = @transform_14, window_bounds = array<i64: 128, 1>}, {pipeline_mode = #tpu.pipeline_mode<synchronous>, transform_indices = @transform_15, window_bounds = array<i64: 128, 1>}, {pipeline_mode = #tpu.pipeline_mode<synchronous>, transform_indices = @transform_16, window_bounds = array<i64: 128, 64>}, {pipeline_mode = #tpu.pipeline_mode<synchronous>, transform_indices = @transform_17, window_bounds = array<i64: 1, 64>}, {transform_indices = @transform_18, window_bounds = array<i64: 64, 100, 64>}]} {
    %broadcast_in_dim3A = arith.constant 7.812500e-03 : f32
    %broadcast_in_dim3A_0 = vector.broadcast %broadcast_in_dim3A : f32 to vector<1x128xf32>
    %eq3A = arith.constant 0 : i32
    %eq3A_1 = arith.cmpi eq, %arg0, %eq3A : i32
    %convert_element_type3A = arith.extui %eq3A_1 : i1 to i32
    %cond3A = arith.constant 0 : i32
    %cond3A_2 = arith.cmpi ne, %convert_element_type3A, %cond3A : i32
    scf.if %cond3A_2 {
      %get3A_114 = arith.constant 0 : index
      %get3A_115 = arith.constant 0 : index
      %get3A_116 = vector.load %arg7[%get3A_114, %get3A_115] : memref<128x32xf32, #tpu.memory_space<vmem>>, vector<128x32xf32>
      %get3A_117 = arith.constant 0 : index
      %get3A_118 = arith.constant 0 : index
      %get3A_119 = vector.load %arg2[%get3A_117, %get3A_118] : memref<128x128xf32, #tpu.memory_space<vmem>>, vector<128x32xf32>
      %dot_general3A_120 = arith.constant dense<0.000000e+00> : vector<128x128xf32>
      %dot_general3A_121 = tpu.matmul %get3A_116, %get3A_119, %dot_general3A_120 {dimension_numbers = #tpu.dot_dimension_numbers<[1], [1], [0], [0], [0, 0, 1, 0], [], []>, transpose_lhs_hint = false} : vector<128x32xf32>, vector<128x32xf32>, vector<128x128xf32> -> vector<128x128xf32>
      %slice3A = vector.extract_strided_slice %dot_general3A_121 {offsets = [0, 0], sizes = [128, 100], strides = [1, 1]} : vector<128x128xf32> to vector<128x100xf32>
      %get3A_122 = arith.constant 0 : index
      %get3A_123 = arith.constant 0 : index
      %get3A_124 = vector.load %arg8[%get3A_122, %get3A_123] : memref<128x16xf32, #tpu.memory_space<vmem>>, vector<128x16xf32>
      %get3A_125 = arith.constant 0 : index
      %get3A_126 = arith.constant 0 : index
      %get3A_127 = vector.load %arg3[%get3A_125, %get3A_126] : memref<128x128xf32, #tpu.memory_space<vmem>>, vector<128x16xf32>
      %dot_general3A_128 = arith.constant dense<0.000000e+00> : vector<128x128xf32>
      %dot_general3A_129 = tpu.matmul %get3A_124, %get3A_127, %dot_general3A_128 {dimension_numbers = #tpu.dot_dimension_numbers<[1], [1], [0], [0], [0, 0, 1, 0], [], []>, transpose_lhs_hint = false} : vector<128x16xf32>, vector<128x16xf32>, vector<128x128xf32> -> vector<128x128xf32>
      %slice3A_130 = vector.extract_strided_slice %dot_general3A_129 {offsets = [0, 0], sizes = [128, 100], strides = [1, 1]} : vector<128x128xf32> to vector<128x100xf32>
      %add3A_131 = arith.addf %slice3A, %slice3A_130 : vector<128x100xf32>
      %get3A_132 = arith.constant 0 : index
      %get3A_133 = arith.constant 0 : index
      %get3A_134 = vector.load %arg9[%get3A_132, %get3A_133] : memref<128x16xf32, #tpu.memory_space<vmem>>, vector<128x16xf32>
      %get3A_135 = arith.constant 0 : index
      %get3A_136 = arith.constant 0 : index
      %get3A_137 = vector.load %arg4[%get3A_135, %get3A_136] : memref<128x128xf32, #tpu.memory_space<vmem>>, vector<128x16xf32>
      %dot_general3A_138 = arith.constant dense<0.000000e+00> : vector<128x128xf32>
      %dot_general3A_139 = tpu.matmul %get3A_134, %get3A_137, %dot_general3A_138 {dimension_numbers = #tpu.dot_dimension_numbers<[1], [1], [0], [0], [0, 0, 1, 0], [], []>, transpose_lhs_hint = false} : vector<128x16xf32>, vector<128x16xf32>, vector<128x128xf32> -> vector<128x128xf32>
      %slice3A_140 = vector.extract_strided_slice %dot_general3A_139 {offsets = [0, 0], sizes = [128, 100], strides = [1, 1]} : vector<128x128xf32> to vector<128x100xf32>
      %add3A_141 = arith.addf %add3A_131, %slice3A_140 : vector<128x100xf32>
      %get3A_142 = arith.constant 0 : index
      %get3A_143 = arith.constant 0 : index
      %get3A_144 = vector.load %arg10[%get3A_142, %get3A_143] : memref<128x1xf32, #tpu.memory_space<vmem>>, vector<128x1xf32>
      %add3A_145 = vector.broadcast %get3A_144 : vector<128x1xf32> to vector<128x100xf32>
      %add3A_146 = arith.addf %add3A_141, %add3A_145 : vector<128x100xf32>
      %get3A_147 = arith.constant 0 : index
      %get3A_148 = arith.constant 0 : index
      %get3A_149 = vector.load %arg5[%get3A_147, %get3A_148] : memref<1x128xf32, #tpu.memory_space<vmem>>, vector<1x128xf32>
      %reduce_sum3A_150 = arith.constant dense<0.000000e+00> : vector<1xf32>
      %reduce_sum3A_151 = vector.multi_reduction <add>, %get3A_149, %reduce_sum3A_150 [1] : vector<1x128xf32> to vector<1xf32>
      %broadcast_in_dim3A_152 = vector.shape_cast %reduce_sum3A_151 : vector<1xf32> to vector<1x1xf32>
      %div3A_153 = arith.constant 1.280000e+02 : f32
      %div3A_154 = vector.broadcast %div3A_153 : f32 to vector<1x1xf32>
      %div3A_155 = arith.divf %broadcast_in_dim3A_152, %div3A_154 : vector<1x1xf32>
      %dot_general3A_156 = arith.constant dense<0.000000e+00> : vector<1x100xf32>
      %dot_general3A_157 = tpu.matmul %broadcast_in_dim3A_0, %add3A_146, %dot_general3A_156 {dimension_numbers = #tpu.dot_dimension_numbers<[1], [0], [0], [1], [0, 0, 1, 1], [], []>, transpose_lhs_hint = false} : vector<1x128xf32>, vector<128x100xf32>, vector<1x100xf32> -> vector<1x100xf32>
      %mul3A_158 = arith.mulf %broadcast_in_dim3A_0, %get3A_149 : vector<1x128xf32>
      %dot_general3A_159 = arith.constant dense<0.000000e+00> : vector<1x100xf32>
      %dot_general3A_160 = tpu.matmul %mul3A_158, %add3A_146, %dot_general3A_159 {dimension_numbers = #tpu.dot_dimension_numbers<[1], [0], [0], [1], [0, 0, 1, 1], [], []>, transpose_lhs_hint = false} : vector<1x128xf32>, vector<128x100xf32>, vector<1x100xf32> -> vector<1x100xf32>
      %mul3A_161 = vector.broadcast %div3A_155 : vector<1x1xf32> to vector<1x100xf32>
      %mul3A_162 = arith.mulf %mul3A_161, %dot_general3A_157 : vector<1x100xf32>
      %sub3A_163 = arith.subf %dot_general3A_160, %mul3A_162 : vector<1x100xf32>
      %mul3A_164 = arith.mulf %add3A_146, %add3A_146 : vector<128x100xf32>
      %dot_general3A_165 = arith.constant dense<0.000000e+00> : vector<1x100xf32>
      %dot_general3A_166 = tpu.matmul %broadcast_in_dim3A_0, %mul3A_164, %dot_general3A_165 {dimension_numbers = #tpu.dot_dimension_numbers<[1], [0], [0], [1], [0, 0, 1, 1], [], []>, transpose_lhs_hint = false} : vector<1x128xf32>, vector<128x100xf32>, vector<1x100xf32> -> vector<1x100xf32>
      %mul3A_167 = arith.mulf %dot_general3A_157, %dot_general3A_157 : vector<1x100xf32>
      %sub3A_168 = arith.subf %dot_general3A_166, %mul3A_167 : vector<1x100xf32>
      %add3A_169 = arith.constant 9.99999974E-6 : f32
      %add3A_170 = vector.broadcast %add3A_169 : f32 to vector<1x100xf32>
      %add3A_171 = arith.addf %sub3A_168, %add3A_170 : vector<1x100xf32>
      %iota3A = tpu.iota {dimensions = array<i32: 0>} : vector<100x6400xi32>
      %iota3A_172 = tpu.iota {dimensions = array<i32: 1>} : vector<100x6400xi32>
      %rem3A = arith.constant 100 : i32
      %rem3A_173 = vector.broadcast %rem3A : i32 to vector<100x6400xi32>
      %rem3A_174 = arith.remsi %iota3A_172, %rem3A_173 : vector<100x6400xi32>
      %eq3A_175 = arith.cmpi eq, %rem3A_174, %iota3A : vector<100x6400xi32>
      %convert_element_type3A_176 = arith.extui %eq3A_175 : vector<100x6400xi1> to vector<100x6400xi32>
      %convert_element_type3A_177 = arith.sitofp %convert_element_type3A_176 : vector<100x6400xi32> to vector<100x6400xf32>
      %dot_general3A_178 = arith.constant dense<0.000000e+00> : vector<128x6400xf32>
      %dot_general3A_179 = tpu.matmul %add3A_146, %convert_element_type3A_177, %dot_general3A_178 {dimension_numbers = #tpu.dot_dimension_numbers<[1], [0], [0], [1], [0, 0, 1, 1], [], []>, transpose_lhs_hint = false} : vector<128x100xf32>, vector<100x6400xf32>, vector<128x6400xf32> -> vector<128x6400xf32>
      %swap3A_180 = arith.constant 0 : index
      %swap3A_181 = arith.constant 0 : index
      %swap3A_182 = vector.load %arg20[%swap3A_180, %swap3A_181] : memref<128x6400xf32, #tpu.memory_space<vmem>>, vector<128x6400xf32>
      tpu.vector_store %arg20[%swap3A_180, %swap3A_181], %dot_general3A_179 {strides = array<i32>} : memref<128x6400xf32, #tpu.memory_space<vmem>>, vector<128x6400xf32>,
      %dot_general3A_183 = arith.constant dense<0.000000e+00> : vector<1x6400xf32>
      %dot_general3A_184 = tpu.matmul %dot_general3A_157, %convert_element_type3A_177, %dot_general3A_183 {dimension_numbers = #tpu.dot_dimension_numbers<[1], [0], [0], [1], [0, 0, 1, 1], [], []>, transpose_lhs_hint = false} : vector<1x100xf32>, vector<100x6400xf32>, vector<1x6400xf32> -> vector<1x6400xf32>
      %swap3A_185 = arith.constant 0 : index
      %swap3A_186 = arith.constant 0 : index
      %swap3A_187 = vector.load %arg21[%swap3A_185, %swap3A_186] : memref<1x6400xf32, #tpu.memory_space<vmem>>, vector<1x6400xf32>
      tpu.vector_store %arg21[%swap3A_185, %swap3A_186], %dot_general3A_184 {strides = array<i32>} : memref<1x6400xf32, #tpu.memory_space<vmem>>, vector<1x6400xf32>,
      %mul3A_188 = arith.constant 2.000000e+00 : f32
      %mul3A_189 = vector.broadcast %mul3A_188 : f32 to vector<1x100xf32>
      %mul3A_190 = arith.mulf %mul3A_189, %sub3A_163 : vector<1x100xf32>
      %dot_general3A_191 = arith.constant dense<0.000000e+00> : vector<1x6400xf32>
      %dot_general3A_192 = tpu.matmul %mul3A_190, %convert_element_type3A_177, %dot_general3A_191 {dimension_numbers = #tpu.dot_dimension_numbers<[1], [0], [0], [1], [0, 0, 1, 1], [], []>, transpose_lhs_hint = false} : vector<1x100xf32>, vector<100x6400xf32>, vector<1x6400xf32> -> vector<1x6400xf32>
      %swap3A_193 = arith.constant 0 : index
      %swap3A_194 = arith.constant 0 : index
      %swap3A_195 = vector.load %arg22[%swap3A_193, %swap3A_194] : memref<1x6400xf32, #tpu.memory_space<vmem>>, vector<1x6400xf32>
      tpu.vector_store %arg22[%swap3A_193, %swap3A_194], %dot_general3A_192 {strides = array<i32>} : memref<1x6400xf32, #tpu.memory_space<vmem>>, vector<1x6400xf32>,
      %dot_general3A_196 = arith.constant dense<0.000000e+00> : vector<1x6400xf32>
      %dot_general3A_197 = tpu.matmul %add3A_171, %convert_element_type3A_177, %dot_general3A_196 {dimension_numbers = #tpu.dot_dimension_numbers<[1], [0], [0], [1], [0, 0, 1, 1], [], []>, transpose_lhs_hint = false} : vector<1x100xf32>, vector<100x6400xf32>, vector<1x6400xf32> -> vector<1x6400xf32>
      %swap3A_198 = arith.constant 0 : index
      %swap3A_199 = arith.constant 0 : index
      %swap3A_200 = vector.load %arg23[%swap3A_198, %swap3A_199] : memref<1x6400xf32, #tpu.memory_space<vmem>>, vector<1x6400xf32>
      tpu.vector_store %arg23[%swap3A_198, %swap3A_199], %dot_general3A_197 {strides = array<i32>} : memref<1x6400xf32, #tpu.memory_space<vmem>>, vector<1x6400xf32>,
    } else {
    }
    %get3A = arith.constant 0 : index
    %get3A_3 = arith.constant 0 : index
    %get3A_4 = vector.load %arg5[%get3A, %get3A_3] : memref<1x128xf32, #tpu.memory_space<vmem>>, vector<1x128xf32>
    %reduce_sum3A = arith.constant dense<0.000000e+00> : vector<1xf32>
    %reduce_sum3A_5 = vector.multi_reduction <add>, %get3A_4, %reduce_sum3A [1] : vector<1x128xf32> to vector<1xf32>
    %broadcast_in_dim3A_6 = vector.shape_cast %reduce_sum3A_5 : vector<1xf32> to vector<1x1xf32>
    %div3A = arith.constant 1.280000e+02 : f32
    %div3A_7 = vector.broadcast %div3A : f32 to vector<1x1xf32>
    %div3A_8 = arith.divf %broadcast_in_dim3A_6, %div3A_7 : vector<1x1xf32>
    %mul3A = arith.mulf %get3A_4, %get3A_4 : vector<1x128xf32>
    %reduce_sum3A_9 = arith.constant dense<0.000000e+00> : vector<1xf32>
    %reduce_sum3A_10 = vector.multi_reduction <add>, %mul3A, %reduce_sum3A_9 [1] : vector<1x128xf32> to vector<1xf32>
    %broadcast_in_dim3A_11 = vector.shape_cast %reduce_sum3A_10 : vector<1xf32> to vector<1x1xf32>
    %div3A_12 = arith.constant 1.280000e+02 : f32
    %div3A_13 = vector.broadcast %div3A_12 : f32 to vector<1x1xf32>
    %div3A_14 = arith.divf %broadcast_in_dim3A_11, %div3A_13 : vector<1x1xf32>
    %mul3A_15 = arith.mulf %div3A_8, %div3A_8 : vector<1x1xf32>
    %sub3A = arith.subf %div3A_14, %mul3A_15 : vector<1x1xf32>
    %get3A_16 = arith.constant 0 : index
    %get3A_17 = arith.constant 0 : index
    %get3A_18 = vector.load %arg1[%get3A_16, %get3A_17] : memref<1x6400xf32, #tpu.memory_space<vmem>>, vector<1x6400xf32>
    %mul3A_19 = vector.broadcast %div3A_8 : vector<1x1xf32> to vector<1x6400xf32>
    %mul3A_20 = arith.mulf %get3A_18, %mul3A_19 : vector<1x6400xf32>
    %get3A_21 = arith.constant 0 : index
    %get3A_22 = arith.constant 0 : index
    %get3A_23 = vector.load %arg21[%get3A_21, %get3A_22] : memref<1x6400xf32, #tpu.memory_space<vmem>>, vector<1x6400xf32>
    %add3A = arith.addf %mul3A_20, %get3A_23 : vector<1x6400xf32>
    %mul3A_24 = vector.broadcast %sub3A : vector<1x1xf32> to vector<1x6400xf32>
    %mul3A_25 = arith.mulf %get3A_18, %mul3A_24 : vector<1x6400xf32>
    %get3A_26 = arith.constant 0 : index
    %get3A_27 = arith.constant 0 : index
    %get3A_28 = vector.load %arg22[%get3A_26, %get3A_27] : memref<1x6400xf32, #tpu.memory_space<vmem>>, vector<1x6400xf32>
    %add3A_29 = arith.addf %mul3A_25, %get3A_28 : vector<1x6400xf32>
    %mul3A_30 = arith.mulf %add3A_29, %get3A_18 : vector<1x6400xf32>
    %get3A_31 = arith.constant 0 : index
    %get3A_32 = arith.constant 0 : index
    %get3A_33 = vector.load %arg23[%get3A_31, %get3A_32] : memref<1x6400xf32, #tpu.memory_space<vmem>>, vector<1x6400xf32>
    %add3A_34 = arith.addf %mul3A_30, %get3A_33 : vector<1x6400xf32>
    %rsqrt3A = math.rsqrt %add3A_34 : vector<1x6400xf32>
    %mul3A_35 = arith.mulf %add3A, %rsqrt3A : vector<1x6400xf32>
    %get3A_36 = arith.constant 0 : index
    %get3A_37 = arith.constant 0 : index
    %get3A_38 = vector.load %arg6[%get3A_36, %get3A_37] : memref<128x1xf32, #tpu.memory_space<vmem>>, vector<128x1xf32>
    %dot_general3A = arith.constant dense<0.000000e+00> : vector<128x6400xf32>
    %dot_general3A_39 = tpu.matmul %get3A_38, %get3A_18, %dot_general3A {dimension_numbers = #tpu.dot_dimension_numbers<[1], [0], [0], [1], [0, 0, 1, 1], [], []>, transpose_lhs_hint = false} : vector<128x1xf32>, vector<1x6400xf32>, vector<128x6400xf32> -> vector<128x6400xf32>
    %get3A_40 = arith.constant 0 : index
    %get3A_41 = arith.constant 0 : index
    %get3A_42 = vector.load %arg20[%get3A_40, %get3A_41] : memref<128x6400xf32, #tpu.memory_space<vmem>>, vector<128x6400xf32>
    %add3A_43 = arith.addf %dot_general3A_39, %get3A_42 : vector<128x6400xf32>
    %mul3A_44 = vector.broadcast %rsqrt3A : vector<1x6400xf32> to vector<128x6400xf32>
    %mul3A_45 = arith.mulf %add3A_43, %mul3A_44 : vector<128x6400xf32>
    %sub3A_46 = vector.broadcast %mul3A_35 : vector<1x6400xf32> to vector<128x6400xf32>
    %sub3A_47 = arith.subf %mul3A_45, %sub3A_46 : vector<128x6400xf32>
    %get3A_48 = arith.constant 0 : index
    %get3A_49 = arith.constant 0 : index
    %get3A_50 = vector.load %arg11[%get3A_48, %get3A_49] : memref<128x1xf32, #tpu.memory_space<vmem>>, vector<128x1xf32>
    %mul3A_51 = vector.broadcast %get3A_50 : vector<128x1xf32> to vector<128x6400xf32>
    %mul3A_52 = arith.mulf %sub3A_47, %mul3A_51 : vector<128x6400xf32>
    %get3A_53 = arith.constant 0 : index
    %get3A_54 = arith.constant 0 : index
    %get3A_55 = vector.load %arg12[%get3A_53, %get3A_54] : memref<128x1xf32, #tpu.memory_space<vmem>>, vector<128x1xf32>
    %add3A_56 = vector.broadcast %get3A_55 : vector<128x1xf32> to vector<128x6400xf32>
    %add3A_57 = arith.addf %mul3A_52, %add3A_56 : vector<128x6400xf32>
    %max3A = arith.constant 0.000000e+00 : f32
    %max3A_58 = vector.broadcast %max3A : f32 to vector<128x6400xf32>
    %max3A_59 = arith.maximumf %add3A_57, %max3A_58 : vector<128x6400xf32>
    %get3A_60 = arith.constant 0 : index
    %get3A_61 = arith.constant 0 : index
    %get3A_62 = vector.load %arg13[%get3A_60, %get3A_61] : memref<128x128xbf16, #tpu.memory_space<vmem>>, vector<128x128xbf16>
    %convert_element_type3A_63 = arith.truncf %max3A_59 : vector<128x6400xf32> to vector<128x6400xbf16>
    %dot_general3A_64 = arith.constant dense<0.000000e+00> : vector<128x6400xf32>
    %dot_general3A_65 = tpu.matmul %get3A_62, %convert_element_type3A_63, %dot_general3A_64 {dimension_numbers = #tpu.dot_dimension_numbers<[1], [0], [0], [1], [0, 0, 1, 1], [], []>, transpose_lhs_hint = false} : vector<128x128xbf16>, vector<128x6400xbf16>, vector<128x6400xf32> -> vector<128x6400xf32>
    %get3A_66 = arith.constant 0 : index
    %get3A_67 = arith.constant 0 : index
    %get3A_68 = vector.load %arg14[%get3A_66, %get3A_67] : memref<128x1xf32, #tpu.memory_space<vmem>>, vector<128x1xf32>
    %add3A_69 = vector.broadcast %get3A_68 : vector<128x1xf32> to vector<128x6400xf32>
    %add3A_70 = arith.addf %dot_general3A_65, %add3A_69 : vector<128x6400xf32>
    %dot_general3A_71 = arith.constant dense<0.000000e+00> : vector<1x6400xf32>
    %dot_general3A_72 = tpu.matmul %broadcast_in_dim3A_0, %add3A_70, %dot_general3A_71 {dimension_numbers = #tpu.dot_dimension_numbers<[1], [0], [0], [1], [0, 0, 1, 1], [], []>, transpose_lhs_hint = false} : vector<1x128xf32>, vector<128x6400xf32>, vector<1x6400xf32> -> vector<1x6400xf32>
    %mul3A_73 = arith.mulf %add3A_70, %add3A_70 : vector<128x6400xf32>
    %dot_general3A_74 = arith.constant dense<0.000000e+00> : vector<1x6400xf32>
    %dot_general3A_75 = tpu.matmul %broadcast_in_dim3A_0, %mul3A_73, %dot_general3A_74 {dimension_numbers = #tpu.dot_dimension_numbers<[1], [0], [0], [1], [0, 0, 1, 1], [], []>, transpose_lhs_hint = false} : vector<1x128xf32>, vector<128x6400xf32>, vector<1x6400xf32> -> vector<1x6400xf32>
    %mul3A_76 = arith.mulf %dot_general3A_72, %dot_general3A_72 : vector<1x6400xf32>
    %sub3A_77 = arith.subf %dot_general3A_75, %mul3A_76 : vector<1x6400xf32>
    %add3A_78 = arith.constant 9.99999974E-6 : f32
    %add3A_79 = vector.broadcast %add3A_78 : f32 to vector<1x6400xf32>
    %add3A_80 = arith.addf %sub3A_77, %add3A_79 : vector<1x6400xf32>
    %rsqrt3A_81 = math.rsqrt %add3A_80 : vector<1x6400xf32>
    %mul3A_82 = arith.mulf %dot_general3A_72, %rsqrt3A_81 : vector<1x6400xf32>
    %mul3A_83 = vector.broadcast %rsqrt3A_81 : vector<1x6400xf32> to vector<128x6400xf32>
    %mul3A_84 = arith.mulf %add3A_70, %mul3A_83 : vector<128x6400xf32>
    %sub3A_85 = vector.broadcast %mul3A_82 : vector<1x6400xf32> to vector<128x6400xf32>
    %sub3A_86 = arith.subf %mul3A_84, %sub3A_85 : vector<128x6400xf32>
    %get3A_87 = arith.constant 0 : index
    %get3A_88 = arith.constant 0 : index
    %get3A_89 = vector.load %arg15[%get3A_87, %get3A_88] : memref<128x1xf32, #tpu.memory_space<vmem>>, vector<128x1xf32>
    %mul3A_90 = vector.broadcast %get3A_89 : vector<128x1xf32> to vector<128x6400xf32>
    %mul3A_91 = arith.mulf %sub3A_86, %mul3A_90 : vector<128x6400xf32>
    %get3A_92 = arith.constant 0 : index
    %get3A_93 = arith.constant 0 : index
    %get3A_94 = vector.load %arg16[%get3A_92, %get3A_93] : memref<128x1xf32, #tpu.memory_space<vmem>>, vector<128x1xf32>
    %add3A_95 = vector.broadcast %get3A_94 : vector<128x1xf32> to vector<128x6400xf32>
    %add3A_96 = arith.addf %mul3A_91, %add3A_95 : vector<128x6400xf32>
    %max3A_97 = arith.constant 0.000000e+00 : f32
    %max3A_98 = vector.broadcast %max3A_97 : f32 to vector<128x6400xf32>
    %max3A_99 = arith.maximumf %add3A_96, %max3A_98 : vector<128x6400xf32>
    %convert_element_type3A_100 = arith.truncf %max3A_99 : vector<128x6400xf32> to vector<128x6400xbf16>
    %get3A_101 = arith.constant 0 : index
    %get3A_102 = arith.constant 0 : index
    %get3A_103 = vector.load %arg17[%get3A_101, %get3A_102] : memref<128x64xbf16, #tpu.memory_space<vmem>>, vector<128x64xbf16>
    %dot_general3A_104 = arith.constant dense<0.000000e+00> : vector<6400x64xf32>
    %dot_general3A_105 = tpu.matmul %convert_element_type3A_100, %get3A_103, %dot_general3A_104 {dimension_numbers = #tpu.dot_dimension_numbers<[0], [0], [1], [1], [0, 1, 1, 1], [], []>, transpose_lhs_hint = false} : vector<128x6400xbf16>, vector<128x64xbf16>, vector<6400x64xf32> -> vector<6400x64xf32>
    %get3A_106 = arith.constant 0 : index
    %get3A_107 = arith.constant 0 : index
    %get3A_108 = vector.load %arg18[%get3A_106, %get3A_107] : memref<1x64xf32, #tpu.memory_space<vmem>>, vector<1x64xf32>
    %add3A_109 = vector.broadcast %get3A_108 : vector<1x64xf32> to vector<6400x64xf32>
    %add3A_110 = arith.addf %dot_general3A_105, %add3A_109 : vector<6400x64xf32>
    %reshape3A = vector.shape_cast %add3A_110 : vector<6400x64xf32> to vector<64x100x64xf32>
    %swap3A = arith.constant 0 : index
    %swap3A_111 = arith.constant 0 : index
    %swap3A_112 = arith.constant 0 : index
    %swap3A_113 = vector.load %arg19[%swap3A, %swap3A_111, %swap3A_112] : memref<64x100x64xf32, #tpu.memory_space<vmem>>, vector<64x100x64xf32>
    tpu.vector_store %arg19[%swap3A, %swap3A_111, %swap3A_112], %reshape3A {strides = array<i32>} : memref<64x100x64xf32, #tpu.memory_space<vmem>>, vector<64x100x64xf32>,
    return
  }
  func.func @transform_0(%arg0: i32) -> (i32, i32) {
    %c0_i32 = arith.constant 0 : i32
    %c0_i32_0 = arith.constant 0 : i32
    return %c0_i32, %arg0 : i32, i32
  }
  func.func @transform_1(%arg0: i32) -> (i32, i32) {
    %c0_i32 = arith.constant 0 : i32
    %c0_i32_0 = arith.constant 0 : i32
    %c0_i32_1 = arith.constant 0 : i32
    return %c0_i32, %c0_i32_0 : i32, i32
  }
  func.func @transform_2(%arg0: i32) -> (i32, i32) {
    %c0_i32 = arith.constant 0 : i32
    %c0_i32_0 = arith.constant 0 : i32
    %c0_i32_1 = arith.constant 0 : i32
    return %c0_i32, %c0_i32_0 : i32, i32
  }
  func.func @transform_3(%arg0: i32) -> (i32, i32) {
    %c0_i32 = arith.constant 0 : i32
    %c0_i32_0 = arith.constant 0 : i32
    %c0_i32_1 = arith.constant 0 : i32
    return %c0_i32, %c0_i32_0 : i32, i32
  }
  func.func @transform_4(%arg0: i32) -> (i32, i32) {
    %c0_i32 = arith.constant 0 : i32
    %c0_i32_0 = arith.constant 0 : i32
    %c0_i32_1 = arith.constant 0 : i32
    return %c0_i32, %c0_i32_0 : i32, i32
  }
  func.func @transform_5(%arg0: i32) -> (i32, i32) {
    %c0_i32 = arith.constant 0 : i32
    %c0_i32_0 = arith.constant 0 : i32
    %c0_i32_1 = arith.constant 0 : i32
    return %c0_i32, %c0_i32_0 : i32, i32
  }
  func.func @transform_6(%arg0: i32) -> (i32, i32) {
    %c0_i32 = arith.constant 0 : i32
    %c0_i32_0 = arith.constant 0 : i32
    %c0_i32_1 = arith.constant 0 : i32
    return %c0_i32, %c0_i32_0 : i32, i32
  }
  func.func @transform_7(%arg0: i32) -> (i32, i32) {
    %c0_i32 = arith.constant 0 : i32
    %c0_i32_0 = arith.constant 0 : i32
    %c0_i32_1 = arith.constant 0 : i32
    return %c0_i32, %c0_i32_0 : i32, i32
  }
  func.func @transform_8(%arg0: i32) -> (i32, i32) {
    %c0_i32 = arith.constant 0 : i32
    %c0_i32_0 = arith.constant 0 : i32
    %c0_i32_1 = arith.constant 0 : i32
    return %c0_i32, %c0_i32_0 : i32, i32
  }
  func.func @transform_9(%arg0: i32) -> (i32, i32) {
    %c0_i32 = arith.constant 0 : i32
    %c0_i32_0 = arith.constant 0 : i32
    %c0_i32_1 = arith.constant 0 : i32
    return %c0_i32, %c0_i32_0 : i32, i32
  }
  func.func @transform_10(%arg0: i32) -> (i32, i32) {
    %c0_i32 = arith.constant 0 : i32
    %c0_i32_0 = arith.constant 0 : i32
    %c0_i32_1 = arith.constant 0 : i32
    return %c0_i32, %c0_i32_0 : i32, i32
  }
  func.func @transform_11(%arg0: i32) -> (i32, i32) {
    %c0_i32 = arith.constant 0 : i32
    %c0_i32_0 = arith.constant 0 : i32
    %c0_i32_1 = arith.constant 0 : i32
    return %c0_i32, %c0_i32_0 : i32, i32
  }
  func.func @transform_12(%arg0: i32) -> (i32, i32) {
    %c0_i32 = arith.constant 0 : i32
    %c0_i32_0 = arith.constant 0 : i32
    %c0_i32_1 = arith.constant 0 : i32
    return %c0_i32, %c0_i32_0 : i32, i32
  }
  func.func @transform_13(%arg0: i32) -> (i32, i32) {
    %c0_i32 = arith.constant 0 : i32
    %c0_i32_0 = arith.constant 0 : i32
    %c0_i32_1 = arith.constant 0 : i32
    return %c0_i32, %c0_i32_0 : i32, i32
  }
  func.func @transform_14(%arg0: i32) -> (i32, i32) {
    %c0_i32 = arith.constant 0 : i32
    %c0_i32_0 = arith.constant 0 : i32
    %c0_i32_1 = arith.constant 0 : i32
    return %c0_i32, %c0_i32_0 : i32, i32
  }
  func.func @transform_15(%arg0: i32) -> (i32, i32) {
    %c0_i32 = arith.constant 0 : i32
    %c0_i32_0 = arith.constant 0 : i32
    %c0_i32_1 = arith.constant 0 : i32
    return %c0_i32, %c0_i32_0 : i32, i32
  }
  func.func @transform_16(%arg0: i32) -> (i32, i32) {
    %c0_i32 = arith.constant 0 : i32
    %c0_i32_0 = arith.constant 0 : i32
    %c0_i32_1 = arith.constant 0 : i32
    return %c0_i32, %c0_i32_0 : i32, i32
  }
  func.func @transform_17(%arg0: i32) -> (i32, i32) {
    %c0_i32 = arith.constant 0 : i32
    %c0_i32_0 = arith.constant 0 : i32
    %c0_i32_1 = arith.constant 0 : i32
    return %c0_i32, %c0_i32_0 : i32, i32
  }
  func.func @transform_18(%arg0: i32) -> (i32, i32, i32) {
    %c0_i32 = arith.constant 0 : i32
    %c0_i32_0 = arith.constant 0 : i32
    %c0_i32_1 = arith.constant 0 : i32
    return %arg0, %c0_i32, %c0_i32_0 : i32, i32, i32
  }
}

</mosaic_0001>

<sc_bundles>
// kernel: kernel.4.cloned.1.call-start
scs
__scs_entry_jumppad:
0x0: {  	(pc) =	sbr.rel $0x88, $3  }
0x1: {  	(tag) =	ssettag $0x0;
	lr =	simm.s32 $0x1  }
0x2: {  	[smem:$0x3F90] =	sst lr;
	_ =	strace $0xD0000000  }
0x3: {  	_ = 	snop  }
0x4: {  	_ = 	snop  }
0x5: {  	_ = 	snop  }
0x6: {  	_ = 	snop  }
0x7: {  	_ = 	snop  }
__scs_overlays_trampoline_lowered:
0x8: {  	[smem:$0x3F9F] =	sst s0  }
0x9: {  	[smem:$0x3FA0] =	sst s1  }
0xa: {  	[smem:$0x3FA1] =	sst s2  }
0xb: {  	[smem:$0x3FA2] =	sst s3  }
0xc: {  	[smem:$0x3FA3] =	sst s4  }
0xd: {  	[smem:$0x3FA4] =	sst s5  }
0xe: {  	[smem:$0x3FA5] =	sst s6  }
0xf: {  	[smem:$0x3FA6] =	sst s7  }
0x10: {  	[smem:$0x3FA7] =	sst s8  }
0x11: {  	[smem:$0x3FA8] =	sst s9;
	s0 =	simm.s32 @!p0 $0x0  }
0x12: {  	s1 =	sld [smem:$0x3F8E];
	s0 =	simm.s32 @p0 $0x1  }
0x13: {  	[smem:$0x3FA9] =	sst s0;
	s0 =	simm.s32 @!p1 $0x0  }
0x14: {  	s2 =	sld [smem:$0x3F8D];
	s0 =	simm.s32 @p1 $0x1  }
0x15: {  	[smem:$0x3FAA] =	sst s0;
	s0 =	simm.s32 @!p2 $0x0  }
0x16: {  	s3 =	sld [smem:$0x3FDB];
	s0 =	simm.s32 @p2 $0x1  }
0x17: {  	s4 =	simm.s32 $0x1BF5;
	[smem:$0x3FAC] =	sst s0  }
0x18: {  	s0 =	sld [smem:$0x3F8F];
	_ =	swait.ge [sflag:s4], $0x0  }
0x19: {  	s7 =	sld [smem:$0x3F90]  }
0x1a: {  	s8 =	sadd.s32 $0xFFFFE003, lr  }
0x1b: {  	s9 =	sadd.s32 $0xFFFFFEF7, lr;
	s5 =	simm.s32 $0xFFFFFFFF;
	p2 =	slt.u32 s8, $0xFFFFF086  }
0x1c: {  	p1 =	slt.u32 s9, $0xF7A;
	s5 =	simm.s32 @!p2 $0x0  }
0x1d: {  	s5 =	simm.s32 @p1 $0x1;
	p0 =	seq.s32 s7, s2  }
0x1e: {  	s7 =	smul.u32 @!p0 $0xF7A, s2;
	p2 =	seq.s32 @!p0 s5, $0x0  }
0x1f: {  	s9 =	smul.u32 $0xF7A, s1;
	s8 =	simm.s32 @!p0 $0x1BF5;
	p2 =	por !p2, p0  }
0x20: {  	[sflag:s8] =	ssyncset.s32 @!p0 $0xFFFFF086;
	s6 =	sadd.s32 @!p0 s3, s7;
	s7 =	simm.s32 @!p0 $0x108  }
0x21: {  	s3 =	sadd.s32 s3, s9;
	s6 =	sadd.s32 @!p0 $0x88, s6;
	s7 =	simm.s32 @p2 $0x1082  }
0x22: {  	[simem:s7], [sflag:s8] =	dma.local @!p0 [hbm:s6], $0xF7A  }
0x23: {  	s9 =	sor.u32 $0xD0000000, s2;
	s6 =	simm.s32 $0x108;
	_ =	swait.ge @!p0 [sflag:s8], $0x0  }
0x24: {  	s3 =	sadd.s32 $0x88, s3;
	s6 =	simm.s32 @!p1 $0x1082;
	[sflag:s4] =	ssyncset.s32 $0xFFFFF086  }
0x25: {  	[simem:s6], [sflag:s4] =	dma.local [hbm:s3], $0xF7A  }
0x26: {  	[smem:$0x3F90] =	sst s1;
	(tag) =	ssettag s2;
	_ =	strace s9  }
0x27: {  	s1 =	sld [smem:$0x3FA0]  }
0x28: {  	s2 =	sld [smem:$0x3FA1]  }
0x29: {  	s4 =	sld [smem:$0x3FA3]  }
0x2a: {  	p0 =	seq.s32 s5, $0x0;
	s5 =	sld [smem:$0x3FA4]  }
0x2b: {  	s6 =	sld [smem:$0x3FA5]  }
0x2c: {  	s7 =	sld [smem:$0x3FA6]  }
0x2d: {  	s3 =	simm.s32 $0x108;
	s8 =	sld [smem:$0x3FA7]  }
0x2e: {  	s3 =	simm.s32 @!p0 $0x1082;
	s9 =	sld [smem:$0x3FA8]  }
0x2f: {  	lr =	sadd.s32 s0, s3;
	s0 =	sld [smem:$0x3F9F]  }
0x30: {  	s3 =	sld [smem:$0x3FA2]  }
0x31: {  	[smem:$0x3FAB] =	sst s10  }
0x32: {  	s10 =	sld [smem:$0x3FA9];
	_ =	sdelay $0x3  }
0x33: {  	p0 =	seq.s32 s10, $0x1;
	s10 =	sld [smem:$0x3FAB];
	_ =	sdelay $0x3  }
0x34: {  	[smem:$0x3FAB] =	sst s10  }
0x35: {  	s10 =	sld [smem:$0x3FAA];
	_ =	sdelay $0x3  }
0x36: {  	p1 =	seq.s32 s10, $0x1;
	s10 =	sld [smem:$0x3FAB];
	_ =	sdelay $0x3  }
0x37: {  	[smem:$0x3FAB] =	sst s10  }
0x38: {  	s10 =	sld [smem:$0x3FAC]  }
0x39: {  	_ = 	snop;
	(pc) =	sbr.ind lr, $3  }
0x3a: {  	_ = 	snop  }
0x3b: {  	_ = 	snop  }
0x3c: {  	p2 =	seq.s32 s10, $0x1;
	s10 =	sld [smem:$0x3FAB]  }
0x3d: {  	_ =	shalt  }
0x3e: {  	_ =	shalt  }
0x3f: {  	_ =	shalt  }
0x40: {  	_ =	shalt  }
0x41: {  	_ =	shalt  }
0x42: {  	_ =	shalt  }
0x43: {  	_ =	shalt  }
0x44: {  	_ =	shalt  }
0x45: {  	_ =	shalt  }
0x46: {  	_ =	shalt  }
0x47: {  	_ =	shalt  }
0x48: {  	_ =	shalt  }
0x49: {  	_ =	shalt  }
0x4a: {  	_ =	shalt  }
0x4b: {  	_ =	shalt  }
0x4c: {  	_ =	shalt  }
0x4d: {  	_ =	shalt  }
0x4e: {  	_ =	shalt  }
0x4f: {  	_ =	shalt  }
0x50: {  	_ =	shalt  }
0x51: {  	_ =	shalt  }
0x52: {  	_ =	shalt  }
0x53: {  	_ =	shalt  }
0x54: {  	_ =	shalt  }
0x55: {  	_ =	shalt  }
0x56: {  	_ =	shalt  }
0x57: {  	_ =	shalt  }
0x58: {  	_ =	shalt  }
0x59: {  	_ =	shalt  }
0x5a: {  	_ =	shalt  }
0x5b: {  	_ =	shalt  }
0x5c: {  	_ =	shalt  }
0x5d: {  	_ =	shalt  }
0x5e: {  	_ =	shalt  }
0x5f: {  	_ =	shalt  }
0x60: {  	_ =	shalt  }
0x61: {  	_ =	shalt  }
0x62: {  	_ =	shalt  }
0x63: {  	_ =	shalt  }
0x64: {  	_ =	shalt  }
0x65: {  	_ =	shalt  }
0x66: {  	_ =	shalt  }
0x67: {  	_ =	shalt  }
0x68: {  	_ =	shalt  }
0x69: {  	_ =	shalt  }
0x6a: {  	_ =	shalt  }
0x6b: {  	_ =	shalt  }
0x6c: {  	_ =	shalt  }
0x6d: {  	_ =	shalt  }
0x6e: {  	_ =	shalt  }
0x6f: {  	_ =	shalt  }
0x70: {  	_ =	shalt  }
0x71: {  	_ =	shalt  }
0x72: {  	_ =	shalt  }
0x73: {  	_ =	shalt  }
0x74: {  	_ =	shalt  }
0x75: {  	_ =	shalt  }
0x76: {  	_ =	shalt  }
0x77: {  	_ =	shalt  }
0x78: {  	_ =	shalt  }
0x79: {  	_ =	shalt  }
0x7a: {  	_ =	shalt  }
0x7b: {  	_ =	shalt  }
0x7c: {  	_ =	shalt  }
0x7d: {  	_ =	shalt  }
0x7e: {  	_ =	shalt  }
0x7f: {  	_ =	shalt  }
0x80: {  	_ =	shalt  }
0x81: {  	_ =	shalt  }
0x82: {  	_ =	shalt  }
0x83: {  	_ =	shalt  }
0x84: {  	_ =	shalt  }
0x85: {  	_ =	shalt  }
0x86: {  	_ =	shalt  }
0x87: {  	_ =	shalt  }
.Lfunc_end0:
.L_simem_size_0:
called_computation_lowered:
.L_overlay_start_0:
0x88: {  	s2 =	sld [smem:$0x3FD9]  }
0x89: {  	s3 =	sld [smem:$0x3FFE];
	_ =	sdelay $0x1  }
0x8a: {  	s1 =	srdreg.scid  }
0x8b: {  	s0 =	sand.u32 $0x1, s1  }
0x8c: {  	s17 =	sshll.u32 s0, $0xA;
	s2 =	sadd.s32 s3, s2  }
0x8d: {  	s2 =	sadd.s32 s2, s17  }
0x8e: {  	[smem:$0x3FB7] =	sst s2  }
0x8f: {  	_ = 	snop  }
0x90: {  	s2 =	sld [smem:$0x3FD0];
	(tm) =	ssettm $0x1  }
0x91: {  	s18 =	sld [smem:$0x3FFB];
	_ =	sdelay $0x3  }
0x92: {  	_ =	strace s18  }
0x93: {  	s3 =	sld [smem:$0x3FFC];
	_ =	sdelay $0x3  }
0x94: {  	_ =	strace s3  }
0x95: {  	s3 =	sld [smem:$0x3FFD];
	_ =	sdelay $0x3  }
0x96: {  	_ =	strace s3  }
0x97: {  	_ =	strace $0x8FFFFFFF  }
0x98: {  	s19 =	sld [smem:$0x3FDB];
	_ =	sdelay $0x1  }
0x99: {  	s4 =	simm.s32 $_scs_section_size  }
0x9a: {  	s5 =	simm.s32 $_size__tile_overlayer_lowered;
	s6 =	simm.s32 $_tile_overlayer_lowered  }
0x9b: {  	s22 =	simm.s32 $0x1BFF;
	s21 =	sshll.u32 s6, $0x1;
	s3 =	sadd.s32 s4, s19  }
0x9c: {  	s7 =	simm.s32 $0x0;
	s20 =	sshll.u32 s5, $0x1;
	s5 =	sadd.s32 s21, s3  }
0x9d: {  	[timem:s7], [sflag:s22] =	dma.local [hbm:s5], s20  }
0x9e: {  	_ =	swait.ge [sflag:s22], s20  }
0x9f: {  	s4 =	ssub.s32 $0x0, s20;
	[sflag:s22] =	ssyncset.done $0x0  }
0xa0: {  	[sflag:s22] =	ssyncadd.s32 s4;
	_ =	sdelay $0x1  }
0xa1: {  	s23 =	simm.s32 $0x1B8B  }
0xa2: {  	_ =	swait.ge [sflag:s23], $0x1  }
0xa3: {  	[sflag:s23] =	ssyncset.done $0x0  }
0xa4: {  	s25 =	simm.s32 $0x1B8E;
	s24 =	sld [smem:$0x3FFE];
	[sflag:s23] =	ssyncadd.s32 $0xFFFFFFFF  }
0xa5: {  	s26 =	simm.s32 $execute0_lowered;
	[smem:$0x3FD2] =	sst s25  }
0xa6: {  	s5 =	sshll.u32 s26, $0x1;
	_ =	strace $0x80000046;
	[dreg:$0x1] =	wrdreg $0xFFFFFFFF  }
0xa7: {  	s28 =	simm.s32 $_size_execute0_lowered;
	s3 =	sadd.s32 s3, s5;
	[dreg:$0x0] =	wrdreg $0x0  }
0xa8: {  	s5 =	sshll.u32 s28, $0x1;
	[dreg:$0x2] =	wrdreg s3  }
0xa9: {  	[dreg:$0x3] =	wrdreg s5  }
0xaa: {  	[dreg:$0x4] =	wrdreg $0xC0  }
0xab: {  	_ =	task [dreg:s7], $0x5FFFF  }
0xac: {  	[dreg:$0x1] =	wrdreg $0xFFFFFFFF  }
0xad: {  	[dreg:$0x0] =	wrdreg $0x60  }
0xae: {  	[dreg:$0x2] =	wrdreg s24  }
0xaf: {  	[dreg:$0x3] =	wrdreg s2  }
0xb0: {  	[dreg:$0x4] =	wrdreg $0x9  }
0xb1: {  	_ =	task.clear_ibuf [dreg:s7], $0x5FFFF;
	_ =	strace $0x90000046  }
0xb2: {  	s29 =	simm.s32 $0x9;
	_ =	strace $0x80000048  }
0xb3: {  	_ =	swait.ge [sflag:s29], $0x1  }
0xb4: {  	[sflag:s29] =	ssyncadd.s32 $0xFFFFFFFF  }
0xb5: {  	_ =	strace $0x90000048  }
0xb6: {  	_ =	sfence  }
0xb7: {  	s30 =	sld [smem:$0x0];
	_ =	sdelay $0x2  }
0xb8: {  	s31 =	sshll.u32 s1, $0xD;
	s1 =	sshrl.u32 s1, $0x2  }
0xb9: {  	s3 =	sand.u32 $0x4000, s31;
	s1 =	sadd.s32 s1, s30  }
0xba: {  	s0 =	sor.u32 s3, s0;
	s1 =	sshll.u32 s1, $0x11  }
0xbb: {  	s0 =	sor.u32 s1, s0  }
0xbc: {  	s0 =	sadd.s32 $0x8F2B, s0  }
0xbd: {  	[sflag:s0] =	ssyncadd.remote.s32 $0x1  }
0xbe: {  	_ =	sfence.sel $0xFFFF  }
0xbf: {  	[dreg:$0x0] =	wrdreg $0xFFFFFFFF;
	(pc) =	sbr.abs _section_cstart, $3  }
0xc0: {  	[dreg:$0x1] =	wrdreg $0xFFFFFFFF  }
0xc1: {  	_ =	task.clear_ibuf [dreg:s7], $0x2FFFF;
	_ =	strace $0x9FFFFFFF  }
0xc2: {  	(tm) =	ssettm $0x7FFFFFFF  }
0xc3: {  	_ =	shalt  }
tec
execute0_lowered:
.L_overlay_start_1:
0x0: {  	(tag) =	ssettag $0x1  }
0x1: {  	s1 =	stileid.u32  }
0x2: {  	p0 =	sgt.u32 s1, $0x7  }
.Ltmp0:
0x3: {  	_ = 	snop;
	(pc) =	sbr.rel @p0 .LBB2_4-.Ltmp0, $4  }
0x4: {  	s18 =	rddreg [dreg:$0x0]  }
0x5: {  	s17 =	rddreg [dreg:$0x1];
	s2 =	simm.s32 $0x0  }
0x6: {  	[smem:$0x7FF] =	sst s2  }
0x7: {  	s0 =	rddreg [dreg:$0x2];
	_ =	strace $0x80000047  }
0x8: {  	s3 =	srdreg.scid  }
0x9: {  	s30 =	sshll.u32 s1, $0x1;
	s19 =	sand.u32 $0x1, s3  }
0xa: {  	s4 =	sadd.s32 $0x1400, s18;
	s20 =	sor.u32 s19, s30  }
0xb: {  	s3 =	simm.s32 $0x2;
	s4 =	sadd.s32 s4, s20  }
0xc: {  	[tilespmem:s2], [sflag:$0x2] =	stream.linear.gather [hbm4b:s4+s2], $0x8, $0x38;
	[tilespmem:$0xD80] =	vst v63  }
0xd: {  	_ =	swait.ge [sflag:s3], $0x8  }
0xe: {  	s7 =	sadd.s32 s20, s18;
	[sflag:s3] =	ssyncset.done $0x0  }
0xf: {  	s6 =	simm.s32 $0x80;
	s5 =	sadd.s32 $0x1600, s7;
	[sflag:s3] =	ssyncadd.s32 $0xFFFFFFF8  }
0x10: {  	[tilespmem:s6], [sflag:$0x2] =	stream.linear.gather [hbm4b:s5+s2], $0x8, $0x38;
	[tilespmem:$0xD80] =	vst v63  }
0x11: {  	_ =	swait.ge [sflag:s3], $0x8  }
0x12: {  	[sflag:s3] =	ssyncset.done $0x0  }
0x13: {  	s8 =	simm.s32 $0x100;
	s7 =	sadd.s32 $0x1800, s7;
	[sflag:s3] =	ssyncadd.s32 $0xFFFFFFF8  }
0x14: {  	[tilespmem:s8], [sflag:$0x2] =	stream.linear.gather [hbm4b:s7+s2], $0x8, $0x38;
	[tilespmem:$0xD80] =	vst v63  }
0x15: {  	_ =	swait.ge [sflag:s3], $0x8  }
0x16: {  	s9 =	sadd.s32 $0x1E00, s18;
	[sflag:s3] =	ssyncset.done $0x0  }
0x17: {  	s10 =	simm.s32 $0x8;
	s11 =	simm.s32 $0x180;
	[sflag:s3] =	ssyncadd.s32 $0xFFFFFFF8  }
0x18: {  	[tilespmem:s11], [sflag:$0x1] =	stream.indirect.gather [hbm4b:s9+s10], $0x80, s2, s10, $0xb8;
	[tilespmem:$0xD80] =	vst v63  }
0x19: {  	s12 =	sadd.s32 $0x1A00, s18;
	s13 =	simm.s32 $0x580  }
0x1a: {  	[tilespmem:s13], [sflag:$0x1] =	stream.indirect.gather [hbm4b:s12+s10], $0x80, s6, s10, $0xb8;
	[tilespmem:$0xD80] =	vst v63  }
0x1b: {  	s14 =	sadd.s32 $0x1C00, s18;
	s15 =	simm.s32 $0x980;
	s16 =	simm.s32 $0x1  }
0x1c: {  	[tilespmem:s15], [sflag:$0x1] =	stream.indirect.gather [hbm4b:s14+s10], $0x80, s8, s10, $0xb8;
	[tilespmem:$0xD80] =	vst v63  }
0x1d: {  	_ =	swait.ge [sflag:s16], $0x400  }
0x1e: {  	[sflag:s16] =	ssyncset.done $0x0  }
0x1f: {  	[sflag:s16] =	ssyncadd.s32 $0xFFFFFC00  }
0x20: {  	_ =	swait.ge [sflag:s16], $0x400  }
0x21: {  	[sflag:s16] =	ssyncset.done $0x0  }
0x22: {  	[sflag:s16] =	ssyncadd.s32 $0xFFFFFC00  }
0x23: {  	_ =	swait.ge [sflag:s16], $0x400  }
0x24: {  	s20 =	sshll.u32 s20, $0x7;
	[sflag:s16] =	ssyncset.done $0x0  }
0x25: {  	s19 =	ssub.s32 $0x2, s19;
	s17 =	sadd.s32 s17, s20;
	[sflag:s16] =	ssyncadd.s32 $0xFFFFFC00  }
0x26: {  	[hbm4b:s17+s2] =	stream.linear.scatter [tilespmem:s11], [sflag:$0x2], $0x400, $0x38;
	[tilespmem:$0xD80] =	vst v63  }
0x27: {  	s21 =	sshrl.u32 s19, $0x1;
	_ =	swait.ge [sflag:s3], $0x400  }
0x28: {  	s20 =	sadd.s32 s20, s18;
	s21 =	ssub.s32 s19, s21;
	[sflag:s3] =	ssyncset.done $0x0  }
0x29: {  	s18 =	sadd.s32 $0x2600, s20;
	s31 =	smax.u32 s21, $0x1;
	[sflag:s3] =	ssyncadd.s32 $0xFFFFFC00  }
0x2a: {  	[hbm4b:s18+s2] =	stream.linear.scatter [tilespmem:s13], [sflag:$0x2], $0x400, $0x38;
	[tilespmem:$0xD80] =	vst v63  }
0x2b: {  	p0 =	sne.s32 s31, $0x1;
	_ =	swait.ge [sflag:s3], $0x400  }
.Ltmp1:
0x2c: {  	[sflag:s3] =	ssyncset.done $0x0;
	(pc) =	sbr.rel @!p0 .LBB2_3-.Ltmp1, $4  }
0x2d: {  	s19 =	sadd.s32 $0x2E00, s20;
	[sflag:s3] =	ssyncadd.s32 $0xFFFFFC00  }
0x2e: {  	[hbm4b:s19+s2] =	stream.linear.scatter [tilespmem:s15], [sflag:$0x2], $0x400, $0x38;
	[tilespmem:$0xD80] =	vst v63  }
0x2f: {  	_ =	swait.ge [sflag:s3], $0x400  }
0x30: {  	s20 =	sadd.s32 $0xFFFFFFFF, s31;
	[sflag:s3] =	ssyncset.done $0x0  }
.LBB2_2:
0x31: {  	p0 =	sne.s32 s20, $0x1;
	s20 =	sadd.s32 $0xFFFFFFFF, s20;
	[sflag:s3] =	ssyncadd.s32 $0xFFFFFC00  }
0x32: {  	[tilespmem:s2], [sflag:$0x2] =	stream.linear.gather [hbm4b:s4+s2], $0x8, $0x38;
	[tilespmem:$0xD80] =	vst v63  }
0x33: {  	_ =	swait.ge [sflag:s3], $0x8  }
0x34: {  	[sflag:s3] =	ssyncset.done $0x0  }
0x35: {  	[sflag:s3] =	ssyncadd.s32 $0xFFFFFFF8  }
0x36: {  	[tilespmem:s6], [sflag:$0x2] =	stream.linear.gather [hbm4b:s5+s2], $0x8, $0x38;
	[tilespmem:$0xD80] =	vst v63  }
0x37: {  	_ =	swait.ge [sflag:s3], $0x8  }
0x38: {  	[sflag:s3] =	ssyncset.done $0x0  }
0x39: {  	[sflag:s3] =	ssyncadd.s32 $0xFFFFFFF8  }
0x3a: {  	[tilespmem:s8], [sflag:$0x2] =	stream.linear.gather [hbm4b:s7+s2], $0x8, $0x38;
	[tilespmem:$0xD80] =	vst v63  }
0x3b: {  	_ =	swait.ge [sflag:s3], $0x8  }
0x3c: {  	[sflag:s3] =	ssyncset.done $0x0  }
0x3d: {  	[sflag:s3] =	ssyncadd.s32 $0xFFFFFFF8  }
0x3e: {  	[tilespmem:s11], [sflag:$0x1] =	stream.indirect.gather [hbm4b:s9+s10], $0x80, s2, s10, $0xb8;
	[tilespmem:$0xD80] =	vst v63  }
0x3f: {  	_ = 	snop  }
0x40: {  	[tilespmem:s13], [sflag:$0x1] =	stream.indirect.gather [hbm4b:s12+s10], $0x80, s6, s10, $0xb8;
	[tilespmem:$0xD80] =	vst v63  }
0x41: {  	_ = 	snop  }
0x42: {  	[tilespmem:s15], [sflag:$0x1] =	stream.indirect.gather [hbm4b:s14+s10], $0x80, s8, s10, $0xb8;
	[tilespmem:$0xD80] =	vst v63  }
0x43: {  	_ =	swait.ge [sflag:s16], $0x400  }
0x44: {  	[sflag:s16] =	ssyncset.done $0x0  }
0x45: {  	[sflag:s16] =	ssyncadd.s32 $0xFFFFFC00  }
0x46: {  	_ =	swait.ge [sflag:s16], $0x400  }
0x47: {  	[sflag:s16] =	ssyncset.done $0x0  }
0x48: {  	[sflag:s16] =	ssyncadd.s32 $0xFFFFFC00  }
0x49: {  	_ =	swait.ge [sflag:s16], $0x400  }
0x4a: {  	[sflag:s16] =	ssyncset.done $0x0  }
0x4b: {  	[sflag:s16] =	ssyncadd.s32 $0xFFFFFC00  }
0x4c: {  	[hbm4b:s17+s2] =	stream.linear.scatter [tilespmem:s11], [sflag:$0x2], $0x400, $0x38;
	[tilespmem:$0xD80] =	vst v63  }
0x4d: {  	_ =	swait.ge [sflag:s3], $0x400  }
0x4e: {  	[sflag:s3] =	ssyncset.done $0x0  }
0x4f: {  	[sflag:s3] =	ssyncadd.s32 $0xFFFFFC00  }
0x50: {  	[hbm4b:s18+s2] =	stream.linear.scatter [tilespmem:s13], [sflag:$0x2], $0x400, $0x38;
	[tilespmem:$0xD80] =	vst v63  }
0x51: {  	_ =	swait.ge [sflag:s3], $0x400  }
.Ltmp2:
0x52: {  	[sflag:s3] =	ssyncset.done $0x0;
	(pc) =	sbr.rel @p0 .LBB2_2-.Ltmp2, $4  }
0x53: {  	[sflag:s3] =	ssyncadd.s32 $0xFFFFFC00  }
0x54: {  	[hbm4b:s19+s2] =	stream.linear.scatter [tilespmem:s15], [sflag:$0x2], $0x400, $0x38;
	[tilespmem:$0xD80] =	vst v63  }
0x55: {  	_ =	swait.ge [sflag:s3], $0x400  }
0x56: {  	[sflag:s3] =	ssyncset.done $0x0  }
.LBB2_3:
0x57: {  	[sflag:s3] =	ssyncadd.s32 $0xFFFFFC00  }
.LBB2_4:
0x58: {  	_ =	sfence.sel $0x180000  }
0x59: {  	[bflag:$0x0] =	sbarrier.arrive $0xFFFF  }
0x5a: {  	p0 =	sne.s32 s1, $0x0;
	_ =	strace $0x90000047  }
0x5b: {  	s0 =	sadd.s32 @!p0 $0x100000, s0;
	[bflag:$0x2] =	sbarrier.arrive $0xFFFF  }
0x5c: {  	[sflag:s0] =	ssyncadd.tile.s32 @!p0 $0x1;
	_ =	shalt  }
.Lfunc_end2:
_tile_overlayer_lowered:
.L_overlay_start_2:
0x5d: {  	(tag) =	ssettag $0x2  }
0x5e: {  	s0 =	rddreg [dreg:$0x0];
	s2 =	stileid.u32  }
0x5f: {  	s1 =	rddreg [dreg:$0x1];
	p0 =	sne.s32 s2, $0x0  }
0x60: {  	s3 =	rddreg [dreg:$0x2];
	[bflag:$0x3] =	sbarrier.arrive $0xFFFF;
	s2 =	simm.s32 @!p0 $0x1C02  }
0x61: {  	[timem:s3], [sflag:s2] =	dma.local @!p0 [hbm:s0], s1  }
0x62: {  	s0 =	simm.s32 @!p0 $0x2  }
0x63: {  	_ =	swait.ge @!p0 [sflag:s0], s1  }
0x64: {  	s1 =	ssub.s32 @!p0 $0x0, s1;
	[sflag:s0] =	ssyncset.done @!p0 $0x0  }
0x65: {  	[sflag:s0] =	ssyncadd.s32 @!p0 s1  }
0x66: {  	[bflag:$0x3] =	sbarrier.arrive $0xFFFF  }
0x67: {  	_ =	shalt  }

</sc_bundles>
